<compile_context>
chip_gen: v7x
topology: tpu7x:2x2x1
jax: 0.10.2.dev20260603
libtpu: 0.0.44.dev20260713+nightly
codegen_flags: <defaults>
</compile_context>

<pallas_src>
import functools

import jax
import jax.numpy as jnp
from jax import lax
from jax.experimental import pallas as pl
from jax.experimental.pallas import tpu as pltpu
from jax.experimental.pallas import tpu_sc as plsc

NC = 2
NS = 16
NW = NC * NS

GRP = 128


def _sc_gather(table, xt):
    l, b = xt.shape
    d = table.shape[1]
    assert b % (NW * GRP) == 0
    pb_planes = 2
    n_chunks = (l // pb_planes - 1) // 2
    assert pb_planes * (2 * n_chunks + 1) == l

    mesh = plsc.VectorSubcoreMesh(
        core_axis_name="c", subcore_axis_name="s",
        num_cores=NC, num_subcores=NS)

    @functools.partial(
        pl.kernel, mesh=mesh,
        out_type=jax.ShapeDtypeStruct((l, b, d), jnp.float32),
        scratch_types=[
            pltpu.VMEM((l, GRP), jnp.int32),
            pltpu.VMEM((pb_planes, GRP, d), jnp.float32),
            pltpu.VMEM((pb_planes, GRP, d), jnp.float32),
            pltpu.SemaphoreType.DMA,
            pltpu.SemaphoreType.DMA,
        ],
    )
    def k(table_hbm, xt_hbm, out_hbm, idx_v, bank_a, bank_b, sem_a, sem_b):
        wid = lax.axis_index("s") * NC + lax.axis_index("c")
        col0 = wid * GRP
        pltpu.sync_copy(xt_hbm.at[:, pl.ds(col0, GRP)], idx_v)

        def fire(bank, sem, plane0):
            return [
                pltpu.async_copy(
                    table_hbm.at[idx_v.at[plane0 + j]], bank.at[j], sem)
                for j in range(pb_planes)
            ]

        def drain_write(copies, bank, plane0):
            for cp in copies:
                cp.wait()
            pltpu.sync_copy(
                bank, out_hbm.at[pl.ds(plane0, pb_planes),
                                 pl.ds(col0, GRP)])

        cp_a = fire(bank_a, sem_a, 0)

        def chunk(c, carry):
            pa = 2 * pb_planes * c
            pb = pa + pb_planes
            cp_b = fire(bank_b, sem_b, pb)
            drain_write(cp_a, bank_a, pa)
            cp_a2 = fire(bank_a, sem_a, pb + pb_planes)
            drain_write(cp_b, bank_b, pb)
            return carry

        lax.fori_loop(0, n_chunks, chunk, 0)
        drain_write(cp_a, bank_a, l - pb_planes)

    return k(table, xt)


def _vocab_table(embT, W1, b1, W2, b2, blk):
    emb_dim, vocab = embT.shape
    hid = W1.shape[1]
    out_dim = W2.shape[1]
    assert blk % 128 == 0

    def body(e_ref, w1_ref, b1_ref, w2_ref, b2_ref, o_ref):
        w2 = w2_ref[...]
        wc = jnp.dot(w1_ref[...], w2, preferred_element_type=jnp.float32)
        bc = jnp.dot(b1_ref[...], w2,
                     preferred_element_type=jnp.float32) + b2_ref[...]
        z = lax.dot_general(
            e_ref[...], wc,
            dimension_numbers=(((0,), (0,)), ((), ())),
            preferred_element_type=jnp.float32) + bc
        ez = jnp.exp(z)
        s = jnp.sum(ez, axis=-1, keepdims=True)
        o_ref[...] = ez * (1.0 / s)

    return pl.pallas_call(
        body,
        grid=(pl.cdiv(vocab, blk),),
        in_specs=[
            pl.BlockSpec((emb_dim, blk), lambda i: (0, i)),
            pl.BlockSpec((emb_dim, hid), lambda i: (0, 0)),
            pl.BlockSpec((1, hid), lambda i: (0, 0)),
            pl.BlockSpec((hid, out_dim), lambda i: (0, 0)),
            pl.BlockSpec((1, out_dim), lambda i: (0, 0)),
        ],
        out_specs=pl.BlockSpec((blk, out_dim), lambda i: (i, 0)),
        out_shape=jax.ShapeDtypeStruct((vocab, out_dim), jnp.float32),
    )(embT, W1, b1.reshape(1, hid), W2, b2.reshape(1, out_dim))


def kernel(x, emb, W1, b1, W2, b2):
    table = _vocab_table(emb.T, W1, b1, W2, b2, blk=12800)
    out3 = _sc_gather(table, x.T)
    return out3.transpose(1, 0, 2)

# --- scband reference (transcript-rebuilt; emitter-appended) ---
"""Pipeline reference for scband-fast-text-39968965656692 (READ-ONLY COPY).

The authoritative reference and input builder live on the scoring server;
editing this copy changes nothing except your own understanding.
"""

import jax, jax.numpy as jnp
import numpy as np

VOCAB = 100000
EMB = 64
HID = 256
OUT = 128
B = 4096
L = 50

def setup_inputs(seed: int = 0) -> dict:
    key = jax.random.key(seed)
    k1, k2, k3, k4 = jax.random.split(key, 4)
    x = jax.random.randint(k1, (B, L), 0, VOCAB, dtype=jnp.int32)
    emb = jax.random.normal(k2, (VOCAB, EMB), dtype=jnp.float32) * 0.02
    W1 = jax.random.normal(k3, (EMB, HID), dtype=jnp.float32) * 0.02
    b1 = jnp.zeros((HID,), dtype=jnp.float32)
    W2 = jax.random.normal(k4, (HID, OUT), dtype=jnp.float32) * 0.02
    b2 = jnp.zeros((OUT,), dtype=jnp.float32)
    return {"x": x, "emb": emb, "W1": W1, "b1": b1, "W2": W2, "b2": b2}

def reference(x, emb, W1, b1, W2, b2):
    # embedding lookup (frozen pretrained table)
    e = jnp.take(emb, x, axis=0)              # [B, L, EMB]
    # fc1 + dropout(eval -> identity)
    h = jnp.einsum('ble,eh->blh', e, W1) + b1  # [B, L, HID]
    # fc2 + dropout(eval -> identity)
    z = jnp.einsum('blh,ho->blo', h, W2) + b2  # [B, L, OUT]
    # nn.Softmax() with no dim -> softmax over last dim
    return jax.nn.softmax(z, axis=-1)

if __name__ == "__main__":
    import jax
    _d = setup_inputs()
    print(jax.jit(kernel)(*tuple(_d.values())))

</pallas_src>

<mosaic_0001>
#map = affine_map<(d0, d1) -> (0, 0)>
#map1 = affine_map<(d0, d1) -> (0, 0, 0)>
module attributes {stable_mosaic.version = 14 : i64} {
  func.func @k(%arg0: i32, %arg1: i32, %arg2: memref<100000x128xf32, #tpu.memory_space<hbm>>, %arg3: memref<50x4096xi32, #tpu.memory_space<hbm>>, %arg4: memref<50x4096x128xf32, #tpu.memory_space<hbm>>, %arg5: memref<50x128xi32, #tpu.memory_space<vmem>>, %arg6: memref<2x128x128xf32, #tpu.memory_space<vmem>>, %arg7: memref<2x128x128xf32, #tpu.memory_space<vmem>>, %arg8: memref<!tpu.dma_semaphore, #tpu.memory_space<semaphore_mem>>, %arg9: memref<!tpu.dma_semaphore, #tpu.memory_space<semaphore_mem>>) attributes {dimension_semantics = [#tpu.dimension_semantics<core_parallel>, #tpu.dimension_semantics<subcore_parallel>], iteration_bounds = array<i64: 2, 16>, scalar_prefetch = 0 : i64, scratch_operands = 5 : i64, tpu.core_type = #tpu.core_type<sc_vector_subcore>, window_params = [{transform_indices = #map}, {transform_indices = #map}, {transform_indices = #map1}]} {
    %mul3A = arith.constant 2 : i32
    %mul3A_0 = arith.muli %arg1, %mul3A : i32
    %add3A = arith.addi %mul3A_0, %arg0 : i32
    %mul3A_1 = arith.constant 128 : i32
    %mul3A_2 = arith.muli %add3A, %mul3A_1 : i32
    "tpu.region"() ({
      %run_scoped3A = tpu.sem_alloc : memref<!tpu.dma_semaphore, #tpu.memory_space<semaphore_mem>>
      %dma_start3A_58 = arith.constant 0 : i32
      %dma_start3A_59 = tpu.memref_slice %arg3[%dma_start3A_58, %mul3A_2] : memref<50x4096xi32, #tpu.memory_space<hbm>> -> memref<50x128xi32, #tpu.memory_space<hbm>>
      %dma_start3A_60 = arith.constant 0 : i32
      %dma_start3A_61 = tpu.memref_slice %arg3[%dma_start3A_60, %mul3A_2] : memref<50x4096xi32, #tpu.memory_space<hbm>> -> memref<50x128xi32, #tpu.memory_space<hbm>>
      tpu.enqueue_dma source(%dma_start3A_61 : memref<50x128xi32, #tpu.memory_space<hbm>>) target(%arg5 : memref<50x128xi32, #tpu.memory_space<vmem>>) target_semaphore(%run_scoped3A : memref<!tpu.dma_semaphore, #tpu.memory_space<semaphore_mem>>)
      %dma_wait3A_62 = arith.constant 0 : i32
      %dma_wait3A_63 = tpu.memref_slice %arg3[%dma_wait3A_62, %mul3A_2] : memref<50x4096xi32, #tpu.memory_space<hbm>> -> memref<50x128xi32, #tpu.memory_space<hbm>>
      %dma_wait3A_64 = arith.constant 0 : i32
      %dma_wait3A_65 = tpu.memref_slice %arg3[%dma_wait3A_64, %mul3A_2] : memref<50x4096xi32, #tpu.memory_space<hbm>> -> memref<50x128xi32, #tpu.memory_space<hbm>>
      tpu.wait_dma2 semaphore(%run_scoped3A : memref<!tpu.dma_semaphore, #tpu.memory_space<semaphore_mem>>) src(%dma_wait3A_65 : memref<50x128xi32, #tpu.memory_space<hbm>>) dst(%arg5 : memref<50x128xi32, #tpu.memory_space<vmem>>)
      tpu.yield
    }) : () -> ()
    %dma_start3A = arith.constant 0 : i32
    %dma_start3A_3 = arith.constant 0 : i32
    %dma_start3A_4 = arith.constant 0 : i32
    %dma_start3A_5 = arith.constant 0 : i32
    %dma_start3A_6 = tpu.memref_slice %arg6[%dma_start3A_3, %dma_start3A_4, %dma_start3A_5] : memref<2x128x128xf32, #tpu.memory_space<vmem>> -> memref<1x128x128xf32, #tpu.memory_space<vmem>>
    %dma_start3A_7 = tpu.memref_squeeze %dma_start3A_6 : memref<1x128x128xf32, #tpu.memory_space<vmem>> -> memref<128x128xf32, #tpu.memory_space<vmem>>
    %dma_start3A_8 = arith.constant 0 : i32
    %dma_start3A_9 = tpu.memref_slice %arg5[%dma_start3A, %dma_start3A_8] : memref<50x128xi32, #tpu.memory_space<vmem>> -> memref<1x128xi32, #tpu.memory_space<vmem>>
    %dma_start3A_10 = tpu.memref_squeeze %dma_start3A_9 : memref<1x128xi32, #tpu.memory_space<vmem>> -> memref<128xi32, #tpu.memory_space<vmem>>
    %dma_start3A_11 = arith.constant 0 : i32
    %dma_start3A_12 = arith.constant 0 : i32
    %dma_start3A_13 = tpu.memref_slice %arg2[%dma_start3A_11, %dma_start3A_12] : memref<100000x128xf32, #tpu.memory_space<hbm>> -> memref<100000x128xf32, #tpu.memory_space<hbm>>
    tpu.enqueue_indirect_dma source(%dma_start3A_13 : memref<100000x128xf32, #tpu.memory_space<hbm>>) target(%dma_start3A_7 : memref<128x128xf32, #tpu.memory_space<vmem>>) offsets(%dma_start3A_10 : memref<128xi32, #tpu.memory_space<vmem>>) semaphore(%arg8 : memref<!tpu.dma_semaphore, #tpu.memory_space<semaphore_mem>>)
    %dma_start3A_14 = arith.constant 1 : i32
    %dma_start3A_15 = arith.constant 1 : i32
    %dma_start3A_16 = arith.constant 0 : i32
    %dma_start3A_17 = arith.constant 0 : i32
    %dma_start3A_18 = tpu.memref_slice %arg6[%dma_start3A_15, %dma_start3A_16, %dma_start3A_17] : memref<2x128x128xf32, #tpu.memory_space<vmem>> -> memref<1x128x128xf32, #tpu.memory_space<vmem>>
    %dma_start3A_19 = tpu.memref_squeeze %dma_start3A_18 : memref<1x128x128xf32, #tpu.memory_space<vmem>> -> memref<128x128xf32, #tpu.memory_space<vmem>>
    %dma_start3A_20 = arith.constant 0 : i32
    %dma_start3A_21 = tpu.memref_slice %arg5[%dma_start3A_14, %dma_start3A_20] : memref<50x128xi32, #tpu.memory_space<vmem>> -> memref<1x128xi32, #tpu.memory_space<vmem>>
    %dma_start3A_22 = tpu.memref_squeeze %dma_start3A_21 : memref<1x128xi32, #tpu.memory_space<vmem>> -> memref<128xi32, #tpu.memory_space<vmem>>
    %dma_start3A_23 = arith.constant 0 : i32
    %dma_start3A_24 = arith.constant 0 : i32
    %dma_start3A_25 = tpu.memref_slice %arg2[%dma_start3A_23, %dma_start3A_24] : memref<100000x128xf32, #tpu.memory_space<hbm>> -> memref<100000x128xf32, #tpu.memory_space<hbm>>
    tpu.enqueue_indirect_dma source(%dma_start3A_25 : memref<100000x128xf32, #tpu.memory_space<hbm>>) target(%dma_start3A_19 : memref<128x128xf32, #tpu.memory_space<vmem>>) offsets(%dma_start3A_22 : memref<128xi32, #tpu.memory_space<vmem>>) semaphore(%arg8 : memref<!tpu.dma_semaphore, #tpu.memory_space<semaphore_mem>>)
    %scan3A = arith.constant 0 : i32
    %scan3A_26 = arith.constant 0 : i32
    %scan3A_27 = arith.constant 0 : i32
    %scan3A_28 = arith.constant 1 : i32
    %scan3A_29 = arith.constant 1 : i32
    %scan3A_30 = arith.constant 0 : i32
    %scan3A_31 = arith.constant 12 : i32
    %scan3A_32 = arith.addi %scan3A_30, %scan3A_31 : i32
    %scan3A_33 = arith.constant 1 : i32
    scf.for %scan3A_58 = %scan3A_30 to %scan3A_32 step %scan3A_33  : i32 {
      %mul3A_59 = arith.constant 4 : i32
      %mul3A_60 = arith.muli %mul3A_59, %scan3A_58 : i32
      %add3A_61 = arith.constant 2 : i32
      %add3A_62 = arith.addi %mul3A_60, %add3A_61 : i32
      %add3A_63 = arith.constant 0 : i32
      %add3A_64 = arith.addi %add3A_62, %add3A_63 : i32
      %dma_start3A_65 = arith.constant 0 : i32
      %dma_start3A_66 = arith.constant 0 : i32
      %dma_start3A_67 = arith.constant 0 : i32
      %dma_start3A_68 = tpu.memref_slice %arg7[%dma_start3A_65, %dma_start3A_66, %dma_start3A_67] : memref<2x128x128xf32, #tpu.memory_space<vmem>> -> memref<1x128x128xf32, #tpu.memory_space<vmem>>
      %dma_start3A_69 = tpu.memref_squeeze %dma_start3A_68 : memref<1x128x128xf32, #tpu.memory_space<vmem>> -> memref<128x128xf32, #tpu.memory_space<vmem>>
      %dma_start3A_70 = arith.constant 0 : i32
      %dma_start3A_71 = tpu.memref_slice %arg5[%add3A_64, %dma_start3A_70] : memref<50x128xi32, #tpu.memory_space<vmem>> -> memref<1x128xi32, #tpu.memory_space<vmem>>
      %dma_start3A_72 = tpu.memref_squeeze %dma_start3A_71 : memref<1x128xi32, #tpu.memory_space<vmem>> -> memref<128xi32, #tpu.memory_space<vmem>>
      %dma_start3A_73 = arith.constant 0 : i32
      %dma_start3A_74 = arith.constant 0 : i32
      %dma_start3A_75 = tpu.memref_slice %arg2[%dma_start3A_73, %dma_start3A_74] : memref<100000x128xf32, #tpu.memory_space<hbm>> -> memref<100000x128xf32, #tpu.memory_space<hbm>>
      tpu.enqueue_indirect_dma source(%dma_start3A_75 : memref<100000x128xf32, #tpu.memory_space<hbm>>) target(%dma_start3A_69 : memref<128x128xf32, #tpu.memory_space<vmem>>) offsets(%dma_start3A_72 : memref<128xi32, #tpu.memory_space<vmem>>) semaphore(%arg9 : memref<!tpu.dma_semaphore, #tpu.memory_space<semaphore_mem>>)
      %add3A_76 = arith.constant 1 : i32
      %add3A_77 = arith.addi %add3A_62, %add3A_76 : i32
      %dma_start3A_78 = arith.constant 1 : i32
      %dma_start3A_79 = arith.constant 0 : i32
      %dma_start3A_80 = arith.constant 0 : i32
      %dma_start3A_81 = tpu.memref_slice %arg7[%dma_start3A_78, %dma_start3A_79, %dma_start3A_80] : memref<2x128x128xf32, #tpu.memory_space<vmem>> -> memref<1x128x128xf32, #tpu.memory_space<vmem>>
      %dma_start3A_82 = tpu.memref_squeeze %dma_start3A_81 : memref<1x128x128xf32, #tpu.memory_space<vmem>> -> memref<128x128xf32, #tpu.memory_space<vmem>>
      %dma_start3A_83 = arith.constant 0 : i32
      %dma_start3A_84 = tpu.memref_slice %arg5[%add3A_77, %dma_start3A_83] : memref<50x128xi32, #tpu.memory_space<vmem>> -> memref<1x128xi32, #tpu.memory_space<vmem>>
      %dma_start3A_85 = tpu.memref_squeeze %dma_start3A_84 : memref<1x128xi32, #tpu.memory_space<vmem>> -> memref<128xi32, #tpu.memory_space<vmem>>
      %dma_start3A_86 = arith.constant 0 : i32
      %dma_start3A_87 = arith.constant 0 : i32
      %dma_start3A_88 = tpu.memref_slice %arg2[%dma_start3A_86, %dma_start3A_87] : memref<100000x128xf32, #tpu.memory_space<hbm>> -> memref<100000x128xf32, #tpu.memory_space<hbm>>
      tpu.enqueue_indirect_dma source(%dma_start3A_88 : memref<100000x128xf32, #tpu.memory_space<hbm>>) target(%dma_start3A_82 : memref<128x128xf32, #tpu.memory_space<vmem>>) offsets(%dma_start3A_85 : memref<128xi32, #tpu.memory_space<vmem>>) semaphore(%arg9 : memref<!tpu.dma_semaphore, #tpu.memory_space<semaphore_mem>>)
      %dma_wait3A_89 = arith.constant 0 : i32
      %dma_wait3A_90 = arith.constant 0 : i32
      %dma_wait3A_91 = tpu.memref_slice %arg6[%scan3A_27, %dma_wait3A_89, %dma_wait3A_90] : memref<2x128x128xf32, #tpu.memory_space<vmem>> -> memref<1x128x128xf32, #tpu.memory_space<vmem>>
      %dma_wait3A_92 = tpu.memref_squeeze %dma_wait3A_91 : memref<1x128x128xf32, #tpu.memory_space<vmem>> -> memref<128x128xf32, #tpu.memory_space<vmem>>
      %dma_wait3A_93 = arith.constant 0 : i32
      %dma_wait3A_94 = tpu.memref_slice %arg5[%scan3A_26, %dma_wait3A_93] : memref<50x128xi32, #tpu.memory_space<vmem>> -> memref<1x128xi32, #tpu.memory_space<vmem>>
      %dma_wait3A_95 = tpu.memref_squeeze %dma_wait3A_94 : memref<1x128xi32, #tpu.memory_space<vmem>> -> memref<128xi32, #tpu.memory_space<vmem>>
      %dma_wait3A_96 = arith.constant 0 : i32
      %dma_wait3A_97 = arith.constant 0 : i32
      %dma_wait3A_98 = tpu.memref_slice %arg2[%dma_wait3A_96, %dma_wait3A_97] : memref<100000x128xf32, #tpu.memory_space<hbm>> -> memref<100000x128xf32, #tpu.memory_space<hbm>>
      tpu.wait_indirect_dma semaphore(%arg8 : memref<!tpu.dma_semaphore, #tpu.memory_space<semaphore_mem>>) src(%dma_wait3A_98 : memref<100000x128xf32, #tpu.memory_space<hbm>>) dst(%dma_wait3A_92 : memref<128x128xf32, #tpu.memory_space<vmem>>)
      %dma_wait3A_99 = arith.constant 0 : i32
      %dma_wait3A_100 = arith.constant 0 : i32
      %dma_wait3A_101 = tpu.memref_slice %arg6[%scan3A_29, %dma_wait3A_99, %dma_wait3A_100] : memref<2x128x128xf32, #tpu.memory_space<vmem>> -> memref<1x128x128xf32, #tpu.memory_space<vmem>>
      %dma_wait3A_102 = tpu.memref_squeeze %dma_wait3A_101 : memref<1x128x128xf32, #tpu.memory_space<vmem>> -> memref<128x128xf32, #tpu.memory_space<vmem>>
      %dma_wait3A_103 = arith.constant 0 : i32
      %dma_wait3A_104 = tpu.memref_slice %arg5[%scan3A_28, %dma_wait3A_103] : memref<50x128xi32, #tpu.memory_space<vmem>> -> memref<1x128xi32, #tpu.memory_space<vmem>>
      %dma_wait3A_105 = tpu.memref_squeeze %dma_wait3A_104 : memref<1x128xi32, #tpu.memory_space<vmem>> -> memref<128xi32, #tpu.memory_space<vmem>>
      %dma_wait3A_106 = arith.constant 0 : i32
      %dma_wait3A_107 = arith.constant 0 : i32
      %dma_wait3A_108 = tpu.memref_slice %arg2[%dma_wait3A_106, %dma_wait3A_107] : memref<100000x128xf32, #tpu.memory_space<hbm>> -> memref<100000x128xf32, #tpu.memory_space<hbm>>
      tpu.wait_indirect_dma semaphore(%arg8 : memref<!tpu.dma_semaphore, #tpu.memory_space<semaphore_mem>>) src(%dma_wait3A_108 : memref<100000x128xf32, #tpu.memory_space<hbm>>) dst(%dma_wait3A_102 : memref<128x128xf32, #tpu.memory_space<vmem>>)
      "tpu.region"() ({
        %run_scoped3A = tpu.sem_alloc : memref<!tpu.dma_semaphore, #tpu.memory_space<semaphore_mem>>
        %dma_start3A_159 = arith.constant 0 : i32
        %dma_start3A_160 = tpu.memref_slice %arg4[%mul3A_60, %mul3A_2, %dma_start3A_159] : memref<50x4096x128xf32, #tpu.memory_space<hbm>> -> memref<2x128x128xf32, #tpu.memory_space<hbm>>
        %dma_start3A_161 = arith.constant 0 : i32
        %dma_start3A_162 = tpu.memref_slice %arg4[%mul3A_60, %mul3A_2, %dma_start3A_161] : memref<50x4096x128xf32, #tpu.memory_space<hbm>> -> memref<2x128x128xf32, #tpu.memory_space<hbm>>
        tpu.enqueue_dma source(%arg6 : memref<2x128x128xf32, #tpu.memory_space<vmem>>) target(%dma_start3A_162 : memref<2x128x128xf32, #tpu.memory_space<hbm>>) target_semaphore(%run_scoped3A : memref<!tpu.dma_semaphore, #tpu.memory_space<semaphore_mem>>)
        %dma_wait3A_163 = arith.constant 0 : i32
        %dma_wait3A_164 = tpu.memref_slice %arg4[%mul3A_60, %mul3A_2, %dma_wait3A_163] : memref<50x4096x128xf32, #tpu.memory_space<hbm>> -> memref<2x128x128xf32, #tpu.memory_space<hbm>>
        %dma_wait3A_165 = arith.constant 0 : i32
        %dma_wait3A_166 = tpu.memref_slice %arg4[%mul3A_60, %mul3A_2, %dma_wait3A_165] : memref<50x4096x128xf32, #tpu.memory_space<hbm>> -> memref<2x128x128xf32, #tpu.memory_space<hbm>>
        tpu.wait_dma2 semaphore(%run_scoped3A : memref<!tpu.dma_semaphore, #tpu.memory_space<semaphore_mem>>) src(%arg6 : memref<2x128x128xf32, #tpu.memory_space<vmem>>) dst(%dma_wait3A_166 : memref<2x128x128xf32, #tpu.memory_space<hbm>>)
        tpu.yield
      }) : () -> ()
      %add3A_109 = arith.constant 2 : i32
      %add3A_110 = arith.addi %add3A_62, %add3A_109 : i32
      %add3A_111 = arith.constant 0 : i32
      %add3A_112 = arith.addi %add3A_110, %add3A_111 : i32
      %dma_start3A_113 = arith.constant 0 : i32
      %dma_start3A_114 = arith.constant 0 : i32
      %dma_start3A_115 = arith.constant 0 : i32
      %dma_start3A_116 = tpu.memref_slice %arg6[%dma_start3A_113, %dma_start3A_114, %dma_start3A_115] : memref<2x128x128xf32, #tpu.memory_space<vmem>> -> memref<1x128x128xf32, #tpu.memory_space<vmem>>
      %dma_start3A_117 = tpu.memref_squeeze %dma_start3A_116 : memref<1x128x128xf32, #tpu.memory_space<vmem>> -> memref<128x128xf32, #tpu.memory_space<vmem>>
      %dma_start3A_118 = arith.constant 0 : i32
      %dma_start3A_119 = tpu.memref_slice %arg5[%add3A_112, %dma_start3A_118] : memref<50x128xi32, #tpu.memory_space<vmem>> -> memref<1x128xi32, #tpu.memory_space<vmem>>
      %dma_start3A_120 = tpu.memref_squeeze %dma_start3A_119 : memref<1x128xi32, #tpu.memory_space<vmem>> -> memref<128xi32, #tpu.memory_space<vmem>>
      %dma_start3A_121 = arith.constant 0 : i32
      %dma_start3A_122 = arith.constant 0 : i32
      %dma_start3A_123 = tpu.memref_slice %arg2[%dma_start3A_121, %dma_start3A_122] : memref<100000x128xf32, #tpu.memory_space<hbm>> -> memref<100000x128xf32, #tpu.memory_space<hbm>>
      tpu.enqueue_indirect_dma source(%dma_start3A_123 : memref<100000x128xf32, #tpu.memory_space<hbm>>) target(%dma_start3A_117 : memref<128x128xf32, #tpu.memory_space<vmem>>) offsets(%dma_start3A_120 : memref<128xi32, #tpu.memory_space<vmem>>) semaphore(%arg8 : memref<!tpu.dma_semaphore, #tpu.memory_space<semaphore_mem>>)
      %add3A_124 = arith.constant 1 : i32
      %add3A_125 = arith.addi %add3A_110, %add3A_124 : i32
      %dma_start3A_126 = arith.constant 1 : i32
      %dma_start3A_127 = arith.constant 0 : i32
      %dma_start3A_128 = arith.constant 0 : i32
      %dma_start3A_129 = tpu.memref_slice %arg6[%dma_start3A_126, %dma_start3A_127, %dma_start3A_128] : memref<2x128x128xf32, #tpu.memory_space<vmem>> -> memref<1x128x128xf32, #tpu.memory_space<vmem>>
      %dma_start3A_130 = tpu.memref_squeeze %dma_start3A_129 : memref<1x128x128xf32, #tpu.memory_space<vmem>> -> memref<128x128xf32, #tpu.memory_space<vmem>>
      %dma_start3A_131 = arith.constant 0 : i32
      %dma_start3A_132 = tpu.memref_slice %arg5[%add3A_125, %dma_start3A_131] : memref<50x128xi32, #tpu.memory_space<vmem>> -> memref<1x128xi32, #tpu.memory_space<vmem>>
      %dma_start3A_133 = tpu.memref_squeeze %dma_start3A_132 : memref<1x128xi32, #tpu.memory_space<vmem>> -> memref<128xi32, #tpu.memory_space<vmem>>
      %dma_start3A_134 = arith.constant 0 : i32
      %dma_start3A_135 = arith.constant 0 : i32
      %dma_start3A_136 = tpu.memref_slice %arg2[%dma_start3A_134, %dma_start3A_135] : memref<100000x128xf32, #tpu.memory_space<hbm>> -> memref<100000x128xf32, #tpu.memory_space<hbm>>
      tpu.enqueue_indirect_dma source(%dma_start3A_136 : memref<100000x128xf32, #tpu.memory_space<hbm>>) target(%dma_start3A_130 : memref<128x128xf32, #tpu.memory_space<vmem>>) offsets(%dma_start3A_133 : memref<128xi32, #tpu.memory_space<vmem>>) semaphore(%arg8 : memref<!tpu.dma_semaphore, #tpu.memory_space<semaphore_mem>>)
      %dma_wait3A_137 = arith.constant 0 : i32
      %dma_wait3A_138 = arith.constant 0 : i32
      %dma_wait3A_139 = arith.constant 0 : i32
      %dma_wait3A_140 = tpu.memref_slice %arg7[%dma_wait3A_137, %dma_wait3A_138, %dma_wait3A_139] : memref<2x128x128xf32, #tpu.memory_space<vmem>> -> memref<1x128x128xf32, #tpu.memory_space<vmem>>
      %dma_wait3A_141 = tpu.memref_squeeze %dma_wait3A_140 : memref<1x128x128xf32, #tpu.memory_space<vmem>> -> memref<128x128xf32, #tpu.memory_space<vmem>>
      %dma_wait3A_142 = arith.constant 0 : i32
      %dma_wait3A_143 = tpu.memref_slice %arg5[%add3A_64, %dma_wait3A_142] : memref<50x128xi32, #tpu.memory_space<vmem>> -> memref<1x128xi32, #tpu.memory_space<vmem>>
      %dma_wait3A_144 = tpu.memref_squeeze %dma_wait3A_143 : memref<1x128xi32, #tpu.memory_space<vmem>> -> memref<128xi32, #tpu.memory_space<vmem>>
      %dma_wait3A_145 = arith.constant 0 : i32
      %dma_wait3A_146 = arith.constant 0 : i32
      %dma_wait3A_147 = tpu.memref_slice %arg2[%dma_wait3A_145, %dma_wait3A_146] : memref<100000x128xf32, #tpu.memory_space<hbm>> -> memref<100000x128xf32, #tpu.memory_space<hbm>>
      tpu.wait_indirect_dma semaphore(%arg9 : memref<!tpu.dma_semaphore, #tpu.memory_space<semaphore_mem>>) src(%dma_wait3A_147 : memref<100000x128xf32, #tpu.memory_space<hbm>>) dst(%dma_wait3A_141 : memref<128x128xf32, #tpu.memory_space<vmem>>)
      %dma_wait3A_148 = arith.constant 1 : i32
      %dma_wait3A_149 = arith.constant 0 : i32
      %dma_wait3A_150 = arith.constant 0 : i32
      %dma_wait3A_151 = tpu.memref_slice %arg7[%dma_wait3A_148, %dma_wait3A_149, %dma_wait3A_150] : memref<2x128x128xf32, #tpu.memory_space<vmem>> -> memref<1x128x128xf32, #tpu.memory_space<vmem>>
      %dma_wait3A_152 = tpu.memref_squeeze %dma_wait3A_151 : memref<1x128x128xf32, #tpu.memory_space<vmem>> -> memref<128x128xf32, #tpu.memory_space<vmem>>
      %dma_wait3A_153 = arith.constant 0 : i32
      %dma_wait3A_154 = tpu.memref_slice %arg5[%add3A_77, %dma_wait3A_153] : memref<50x128xi32, #tpu.memory_space<vmem>> -> memref<1x128xi32, #tpu.memory_space<vmem>>
      %dma_wait3A_155 = tpu.memref_squeeze %dma_wait3A_154 : memref<1x128xi32, #tpu.memory_space<vmem>> -> memref<128xi32, #tpu.memory_space<vmem>>
      %dma_wait3A_156 = arith.constant 0 : i32
      %dma_wait3A_157 = arith.constant 0 : i32
      %dma_wait3A_158 = tpu.memref_slice %arg2[%dma_wait3A_156, %dma_wait3A_157] : memref<100000x128xf32, #tpu.memory_space<hbm>> -> memref<100000x128xf32, #tpu.memory_space<hbm>>
      tpu.wait_indirect_dma semaphore(%arg9 : memref<!tpu.dma_semaphore, #tpu.memory_space<semaphore_mem>>) src(%dma_wait3A_158 : memref<100000x128xf32, #tpu.memory_space<hbm>>) dst(%dma_wait3A_152 : memref<128x128xf32, #tpu.memory_space<vmem>>)
      "tpu.region"() ({
        %run_scoped3A = tpu.sem_alloc : memref<!tpu.dma_semaphore, #tpu.memory_space<semaphore_mem>>
        %dma_start3A_159 = arith.constant 0 : i32
        %dma_start3A_160 = tpu.memref_slice %arg4[%add3A_62, %mul3A_2, %dma_start3A_159] : memref<50x4096x128xf32, #tpu.memory_space<hbm>> -> memref<2x128x128xf32, #tpu.memory_space<hbm>>
        %dma_start3A_161 = arith.constant 0 : i32
        %dma_start3A_162 = tpu.memref_slice %arg4[%add3A_62, %mul3A_2, %dma_start3A_161] : memref<50x4096x128xf32, #tpu.memory_space<hbm>> -> memref<2x128x128xf32, #tpu.memory_space<hbm>>
        tpu.enqueue_dma source(%arg7 : memref<2x128x128xf32, #tpu.memory_space<vmem>>) target(%dma_start3A_162 : memref<2x128x128xf32, #tpu.memory_space<hbm>>) target_semaphore(%run_scoped3A : memref<!tpu.dma_semaphore, #tpu.memory_space<semaphore_mem>>)
        %dma_wait3A_163 = arith.constant 0 : i32
        %dma_wait3A_164 = tpu.memref_slice %arg4[%add3A_62, %mul3A_2, %dma_wait3A_163] : memref<50x4096x128xf32, #tpu.memory_space<hbm>> -> memref<2x128x128xf32, #tpu.memory_space<hbm>>
        %dma_wait3A_165 = arith.constant 0 : i32
        %dma_wait3A_166 = tpu.memref_slice %arg4[%add3A_62, %mul3A_2, %dma_wait3A_165] : memref<50x4096x128xf32, #tpu.memory_space<hbm>> -> memref<2x128x128xf32, #tpu.memory_space<hbm>>
        tpu.wait_dma2 semaphore(%run_scoped3A : memref<!tpu.dma_semaphore, #tpu.memory_space<semaphore_mem>>) src(%arg7 : memref<2x128x128xf32, #tpu.memory_space<vmem>>) dst(%dma_wait3A_166 : memref<2x128x128xf32, #tpu.memory_space<hbm>>)
        tpu.yield
      }) : () -> ()
    }
    %scan3A_34 = arith.constant 12 : i32
    %dma_wait3A = arith.constant 0 : i32
    %dma_wait3A_35 = arith.constant 0 : i32
    %dma_wait3A_36 = arith.constant 0 : i32
    %dma_wait3A_37 = arith.constant 0 : i32
    %dma_wait3A_38 = tpu.memref_slice %arg6[%dma_wait3A_35, %dma_wait3A_36, %dma_wait3A_37] : memref<2x128x128xf32, #tpu.memory_space<vmem>> -> memref<1x128x128xf32, #tpu.memory_space<vmem>>
    %dma_wait3A_39 = tpu.memref_squeeze %dma_wait3A_38 : memref<1x128x128xf32, #tpu.memory_space<vmem>> -> memref<128x128xf32, #tpu.memory_space<vmem>>
    %dma_wait3A_40 = arith.constant 0 : i32
    %dma_wait3A_41 = tpu.memref_slice %arg5[%dma_wait3A, %dma_wait3A_40] : memref<50x128xi32, #tpu.memory_space<vmem>> -> memref<1x128xi32, #tpu.memory_space<vmem>>
    %dma_wait3A_42 = tpu.memref_squeeze %dma_wait3A_41 : memref<1x128xi32, #tpu.memory_space<vmem>> -> memref<128xi32, #tpu.memory_space<vmem>>
    %dma_wait3A_43 = arith.constant 0 : i32
    %dma_wait3A_44 = arith.constant 0 : i32
    %dma_wait3A_45 = tpu.memref_slice %arg2[%dma_wait3A_43, %dma_wait3A_44] : memref<100000x128xf32, #tpu.memory_space<hbm>> -> memref<100000x128xf32, #tpu.memory_space<hbm>>
    tpu.wait_indirect_dma semaphore(%arg8 : memref<!tpu.dma_semaphore, #tpu.memory_space<semaphore_mem>>) src(%dma_wait3A_45 : memref<100000x128xf32, #tpu.memory_space<hbm>>) dst(%dma_wait3A_39 : memref<128x128xf32, #tpu.memory_space<vmem>>)
    %dma_wait3A_46 = arith.constant 1 : i32
    %dma_wait3A_47 = arith.constant 1 : i32
    %dma_wait3A_48 = arith.constant 0 : i32
    %dma_wait3A_49 = arith.constant 0 : i32
    %dma_wait3A_50 = tpu.memref_slice %arg6[%dma_wait3A_47, %dma_wait3A_48, %dma_wait3A_49] : memref<2x128x128xf32, #tpu.memory_space<vmem>> -> memref<1x128x128xf32, #tpu.memory_space<vmem>>
    %dma_wait3A_51 = tpu.memref_squeeze %dma_wait3A_50 : memref<1x128x128xf32, #tpu.memory_space<vmem>> -> memref<128x128xf32, #tpu.memory_space<vmem>>
    %dma_wait3A_52 = arith.constant 0 : i32
    %dma_wait3A_53 = tpu.memref_slice %arg5[%dma_wait3A_46, %dma_wait3A_52] : memref<50x128xi32, #tpu.memory_space<vmem>> -> memref<1x128xi32, #tpu.memory_space<vmem>>
    %dma_wait3A_54 = tpu.memref_squeeze %dma_wait3A_53 : memref<1x128xi32, #tpu.memory_space<vmem>> -> memref<128xi32, #tpu.memory_space<vmem>>
    %dma_wait3A_55 = arith.constant 0 : i32
    %dma_wait3A_56 = arith.constant 0 : i32
    %dma_wait3A_57 = tpu.memref_slice %arg2[%dma_wait3A_55, %dma_wait3A_56] : memref<100000x128xf32, #tpu.memory_space<hbm>> -> memref<100000x128xf32, #tpu.memory_space<hbm>>
    tpu.wait_indirect_dma semaphore(%arg8 : memref<!tpu.dma_semaphore, #tpu.memory_space<semaphore_mem>>) src(%dma_wait3A_57 : memref<100000x128xf32, #tpu.memory_space<hbm>>) dst(%dma_wait3A_51 : memref<128x128xf32, #tpu.memory_space<vmem>>)
    "tpu.region"() ({
      %run_scoped3A = tpu.sem_alloc : memref<!tpu.dma_semaphore, #tpu.memory_space<semaphore_mem>>
      %dma_start3A_58 = arith.constant 48 : i32
      %dma_start3A_59 = arith.constant 0 : i32
      %dma_start3A_60 = tpu.memref_slice %arg4[%dma_start3A_58, %mul3A_2, %dma_start3A_59] : memref<50x4096x128xf32, #tpu.memory_space<hbm>> -> memref<2x128x128xf32, #tpu.memory_space<hbm>>
      %dma_start3A_61 = arith.constant 48 : i32
      %dma_start3A_62 = arith.constant 0 : i32
      %dma_start3A_63 = tpu.memref_slice %arg4[%dma_start3A_61, %mul3A_2, %dma_start3A_62] : memref<50x4096x128xf32, #tpu.memory_space<hbm>> -> memref<2x128x128xf32, #tpu.memory_space<hbm>>
      tpu.enqueue_dma source(%arg6 : memref<2x128x128xf32, #tpu.memory_space<vmem>>) target(%dma_start3A_63 : memref<2x128x128xf32, #tpu.memory_space<hbm>>) target_semaphore(%run_scoped3A : memref<!tpu.dma_semaphore, #tpu.memory_space<semaphore_mem>>)
      %dma_wait3A_64 = arith.constant 48 : i32
      %dma_wait3A_65 = arith.constant 0 : i32
      %dma_wait3A_66 = tpu.memref_slice %arg4[%dma_wait3A_64, %mul3A_2, %dma_wait3A_65] : memref<50x4096x128xf32, #tpu.memory_space<hbm>> -> memref<2x128x128xf32, #tpu.memory_space<hbm>>
      %dma_wait3A_67 = arith.constant 48 : i32
      %dma_wait3A_68 = arith.constant 0 : i32
      %dma_wait3A_69 = tpu.memref_slice %arg4[%dma_wait3A_67, %mul3A_2, %dma_wait3A_68] : memref<50x4096x128xf32, #tpu.memory_space<hbm>> -> memref<2x128x128xf32, #tpu.memory_space<hbm>>
      tpu.wait_dma2 semaphore(%run_scoped3A : memref<!tpu.dma_semaphore, #tpu.memory_space<semaphore_mem>>) src(%arg6 : memref<2x128x128xf32, #tpu.memory_space<vmem>>) dst(%dma_wait3A_69 : memref<2x128x128xf32, #tpu.memory_space<hbm>>)
      tpu.yield
    }) : () -> ()
    return
  }
}

module attributes {stable_mosaic.version = 14 : i64} {
  func.func @body(%arg0: i32, %arg1: memref<64x12800xf32, #tpu.memory_space<vmem>>, %arg2: memref<64x256xf32, #tpu.memory_space<vmem>>, %arg3: memref<1x256xf32, #tpu.memory_space<vmem>>, %arg4: memref<256x128xf32, #tpu.memory_space<vmem>>, %arg5: memref<1x128xf32, #tpu.memory_space<vmem>>, %arg6: memref<12800x128xf32, #tpu.memory_space<vmem>>) attributes {dimension_semantics = [#tpu.dimension_semantics<arbitrary>], iteration_bounds = array<i64: 8>, scalar_prefetch = 0 : i64, scratch_operands = 0 : i64, tpu.core_type = #tpu.core_type<tc>, window_params = [{transform_indices = @transform_0, window_bounds = array<i64: 64, 12800>}, {pipeline_mode = #tpu.pipeline_mode<synchronous>, transform_indices = @transform_1, window_bounds = array<i64: 64, 256>}, {pipeline_mode = #tpu.pipeline_mode<synchronous>, transform_indices = @transform_2, window_bounds = array<i64: 1, 256>}, {pipeline_mode = #tpu.pipeline_mode<synchronous>, transform_indices = @transform_3, window_bounds = array<i64: 256, 128>}, {pipeline_mode = #tpu.pipeline_mode<synchronous>, transform_indices = @transform_4, window_bounds = array<i64: 1, 128>}, {transform_indices = @transform_5, window_bounds = array<i64: 12800, 128>}]} {
    %get3A = arith.constant 0 : index
    %get3A_0 = arith.constant 0 : index
    %get3A_1 = vector.load %arg4[%get3A, %get3A_0] : memref<256x128xf32, #tpu.memory_space<vmem>>, vector<256x128xf32>
    %get3A_2 = arith.constant 0 : index
    %get3A_3 = arith.constant 0 : index
    %get3A_4 = vector.load %arg2[%get3A_2, %get3A_3] : memref<64x256xf32, #tpu.memory_space<vmem>>, vector<64x256xf32>
    %dot_general3A = arith.constant dense<0.000000e+00> : vector<64x128xf32>
    %dot_general3A_5 = tpu.matmul %get3A_4, %get3A_1, %dot_general3A {dimension_numbers = #tpu.dot_dimension_numbers<[1], [0], [0], [1], [0, 0, 1, 1], [], []>, transpose_lhs_hint = false} : vector<64x256xf32>, vector<256x128xf32>, vector<64x128xf32> -> vector<64x128xf32>
    %get3A_6 = arith.constant 0 : index
    %get3A_7 = arith.constant 0 : index
    %get3A_8 = vector.load %arg3[%get3A_6, %get3A_7] : memref<1x256xf32, #tpu.memory_space<vmem>>, vector<1x256xf32>
    %dot_general3A_9 = arith.constant dense<0.000000e+00> : vector<1x128xf32>
    %dot_general3A_10 = tpu.matmul %get3A_8, %get3A_1, %dot_general3A_9 {dimension_numbers = #tpu.dot_dimension_numbers<[1], [0], [0], [1], [0, 0, 1, 1], [], []>, transpose_lhs_hint = false} : vector<1x256xf32>, vector<256x128xf32>, vector<1x128xf32> -> vector<1x128xf32>
    %get3A_11 = arith.constant 0 : index
    %get3A_12 = arith.constant 0 : index
    %get3A_13 = vector.load %arg5[%get3A_11, %get3A_12] : memref<1x128xf32, #tpu.memory_space<vmem>>, vector<1x128xf32>
    %add3A = arith.addf %dot_general3A_10, %get3A_13 : vector<1x128xf32>
    %get3A_14 = arith.constant 0 : index
    %get3A_15 = arith.constant 0 : index
    %get3A_16 = vector.load %arg1[%get3A_14, %get3A_15] : memref<64x12800xf32, #tpu.memory_space<vmem>>, vector<64x12800xf32>
    %dot_general3A_17 = arith.constant dense<0.000000e+00> : vector<12800x128xf32>
    %dot_general3A_18 = tpu.matmul %get3A_16, %dot_general3A_5, %dot_general3A_17 {dimension_numbers = #tpu.dot_dimension_numbers<[0], [0], [1], [1], [0, 1, 1, 1], [], []>, transpose_lhs_hint = false} : vector<64x12800xf32>, vector<64x128xf32>, vector<12800x128xf32> -> vector<12800x128xf32>
    %add3A_19 = vector.broadcast %add3A : vector<1x128xf32> to vector<12800x128xf32>
    %add3A_20 = arith.addf %dot_general3A_18, %add3A_19 : vector<12800x128xf32>
    %exp3A = math.exp %add3A_20 : vector<12800x128xf32>
    %reduce_sum3A = arith.constant dense<0.000000e+00> : vector<12800xf32>
    %reduce_sum3A_21 = vector.multi_reduction <add>, %exp3A, %reduce_sum3A [1] : vector<12800x128xf32> to vector<12800xf32>
    %broadcast_in_dim3A = vector.shape_cast %reduce_sum3A_21 : vector<12800xf32> to vector<12800x1xf32>
    %div3A = arith.constant 1.000000e+00 : f32
    %div3A_22 = vector.broadcast %div3A : f32 to vector<12800x1xf32>
    %div3A_23 = arith.divf %div3A_22, %broadcast_in_dim3A : vector<12800x1xf32>
    %mul3A = vector.broadcast %div3A_23 : vector<12800x1xf32> to vector<12800x128xf32>
    %mul3A_24 = arith.mulf %exp3A, %mul3A : vector<12800x128xf32>
    %swap3A = arith.constant 0 : index
    %swap3A_25 = arith.constant 0 : index
    %swap3A_26 = vector.load %arg6[%swap3A, %swap3A_25] : memref<12800x128xf32, #tpu.memory_space<vmem>>, vector<12800x128xf32>
    tpu.vector_store %arg6[%swap3A, %swap3A_25], %mul3A_24 {strides = array<i32>} : memref<12800x128xf32, #tpu.memory_space<vmem>>, vector<12800x128xf32>,
    return
  }
  func.func @transform_0(%arg0: i32) -> (i32, i32) {
    %c0_i32 = arith.constant 0 : i32
    %c0_i32_0 = arith.constant 0 : i32
    return %c0_i32, %arg0 : i32, i32
  }
  func.func @transform_1(%arg0: i32) -> (i32, i32) {
    %c0_i32 = arith.constant 0 : i32
    %c0_i32_0 = arith.constant 0 : i32
    %c0_i32_1 = arith.constant 0 : i32
    return %c0_i32, %c0_i32_0 : i32, i32
  }
  func.func @transform_2(%arg0: i32) -> (i32, i32) {
    %c0_i32 = arith.constant 0 : i32
    %c0_i32_0 = arith.constant 0 : i32
    %c0_i32_1 = arith.constant 0 : i32
    return %c0_i32, %c0_i32_0 : i32, i32
  }
  func.func @transform_3(%arg0: i32) -> (i32, i32) {
    %c0_i32 = arith.constant 0 : i32
    %c0_i32_0 = arith.constant 0 : i32
    %c0_i32_1 = arith.constant 0 : i32
    return %c0_i32, %c0_i32_0 : i32, i32
  }
  func.func @transform_4(%arg0: i32) -> (i32, i32) {
    %c0_i32 = arith.constant 0 : i32
    %c0_i32_0 = arith.constant 0 : i32
    %c0_i32_1 = arith.constant 0 : i32
    return %c0_i32, %c0_i32_0 : i32, i32
  }
  func.func @transform_5(%arg0: i32) -> (i32, i32) {
    %c0_i32 = arith.constant 0 : i32
    %c0_i32_0 = arith.constant 0 : i32
    return %arg0, %c0_i32 : i32, i32
  }
}

</mosaic_0001>

<sc_bundles>
// kernel: kernel.4.cloned.1.call-start
scs
__scs_entry_jumppad:
0x0: {  	(pc) =	sbr.rel $0x88, $3  }
0x1: {  	(tag) =	ssettag $0x0;
	lr =	simm.s32 $0x1  }
0x2: {  	[smem:$0x3F9B] =	sst lr;
	_ =	strace $0xD0000000  }
0x3: {  	_ = 	snop  }
0x4: {  	_ = 	snop  }
0x5: {  	_ = 	snop  }
0x6: {  	_ = 	snop  }
0x7: {  	_ = 	snop  }
__scs_overlays_trampoline_lowered:
0x8: {  	[smem:$0x3FAA] =	sst s0  }
0x9: {  	[smem:$0x3FAB] =	sst s1  }
0xa: {  	[smem:$0x3FAC] =	sst s2  }
0xb: {  	[smem:$0x3FAD] =	sst s3  }
0xc: {  	[smem:$0x3FAE] =	sst s4  }
0xd: {  	[smem:$0x3FAF] =	sst s5  }
0xe: {  	[smem:$0x3FB0] =	sst s6  }
0xf: {  	[smem:$0x3FB1] =	sst s7  }
0x10: {  	[smem:$0x3FB2] =	sst s8  }
0x11: {  	[smem:$0x3FB3] =	sst s9;
	s0 =	simm.s32 @!p0 $0x0  }
0x12: {  	s1 =	sld [smem:$0x3F99];
	s0 =	simm.s32 @p0 $0x1  }
0x13: {  	[smem:$0x3FB4] =	sst s0;
	s0 =	simm.s32 @!p1 $0x0  }
0x14: {  	s2 =	sld [smem:$0x3F98];
	s0 =	simm.s32 @p1 $0x1  }
0x15: {  	[smem:$0x3FB5] =	sst s0;
	s0 =	simm.s32 @!p2 $0x0  }
0x16: {  	s3 =	sld [smem:$0x3FDB];
	s0 =	simm.s32 @p2 $0x1  }
0x17: {  	s4 =	simm.s32 $0x1BF5;
	[smem:$0x3FB7] =	sst s0  }
0x18: {  	s0 =	sld [smem:$0x3F9A];
	_ =	swait.ge [sflag:s4], $0x0  }
0x19: {  	s7 =	sld [smem:$0x3F9B]  }
0x1a: {  	s8 =	sadd.s32 $0xFFFFE003, lr  }
0x1b: {  	s9 =	sadd.s32 $0xFFFFFEF7, lr;
	s5 =	simm.s32 $0xFFFFFFFF;
	p2 =	slt.u32 s8, $0xFFFFF086  }
0x1c: {  	p1 =	slt.u32 s9, $0xF7A;
	s5 =	simm.s32 @!p2 $0x0  }
0x1d: {  	s5 =	simm.s32 @p1 $0x1;
	p0 =	seq.s32 s7, s2  }
0x1e: {  	s7 =	smul.u32 @!p0 $0xF7A, s2;
	p2 =	seq.s32 @!p0 s5, $0x0  }
0x1f: {  	s9 =	smul.u32 $0xF7A, s1;
	s8 =	simm.s32 @!p0 $0x1BF5;
	p2 =	por !p2, p0  }
0x20: {  	[sflag:s8] =	ssyncset.s32 @!p0 $0xFFFFF086;
	s6 =	sadd.s32 @!p0 s3, s7;
	s7 =	simm.s32 @!p0 $0x108  }
0x21: {  	s3 =	sadd.s32 s3, s9;
	s6 =	sadd.s32 @!p0 $0x88, s6;
	s7 =	simm.s32 @p2 $0x1082  }
0x22: {  	[simem:s7], [sflag:s8] =	dma.local @!p0 [hbm:s6], $0xF7A  }
0x23: {  	s9 =	sor.u32 $0xD0000000, s2;
	s6 =	simm.s32 $0x108;
	_ =	swait.ge @!p0 [sflag:s8], $0x0  }
0x24: {  	s3 =	sadd.s32 $0x88, s3;
	s6 =	simm.s32 @!p1 $0x1082;
	[sflag:s4] =	ssyncset.s32 $0xFFFFF086  }
0x25: {  	[simem:s6], [sflag:s4] =	dma.local [hbm:s3], $0xF7A  }
0x26: {  	[smem:$0x3F9B] =	sst s1;
	(tag) =	ssettag s2;
	_ =	strace s9  }
0x27: {  	s1 =	sld [smem:$0x3FAB]  }
0x28: {  	s2 =	sld [smem:$0x3FAC]  }
0x29: {  	s4 =	sld [smem:$0x3FAE]  }
0x2a: {  	p0 =	seq.s32 s5, $0x0;
	s5 =	sld [smem:$0x3FAF]  }
0x2b: {  	s6 =	sld [smem:$0x3FB0]  }
0x2c: {  	s7 =	sld [smem:$0x3FB1]  }
0x2d: {  	s3 =	simm.s32 $0x108;
	s8 =	sld [smem:$0x3FB2]  }
0x2e: {  	s3 =	simm.s32 @!p0 $0x1082;
	s9 =	sld [smem:$0x3FB3]  }
0x2f: {  	lr =	sadd.s32 s0, s3;
	s0 =	sld [smem:$0x3FAA]  }
0x30: {  	s3 =	sld [smem:$0x3FAD]  }
0x31: {  	[smem:$0x3FB6] =	sst s10  }
0x32: {  	s10 =	sld [smem:$0x3FB4];
	_ =	sdelay $0x3  }
0x33: {  	p0 =	seq.s32 s10, $0x1;
	s10 =	sld [smem:$0x3FB6];
	_ =	sdelay $0x3  }
0x34: {  	[smem:$0x3FB6] =	sst s10  }
0x35: {  	s10 =	sld [smem:$0x3FB5];
	_ =	sdelay $0x3  }
0x36: {  	p1 =	seq.s32 s10, $0x1;
	s10 =	sld [smem:$0x3FB6];
	_ =	sdelay $0x3  }
0x37: {  	[smem:$0x3FB6] =	sst s10  }
0x38: {  	s10 =	sld [smem:$0x3FB7]  }
0x39: {  	_ = 	snop;
	(pc) =	sbr.ind lr, $3  }
0x3a: {  	_ = 	snop  }
0x3b: {  	_ = 	snop  }
0x3c: {  	p2 =	seq.s32 s10, $0x1;
	s10 =	sld [smem:$0x3FB6]  }
0x3d: {  	_ =	shalt  }
0x3e: {  	_ =	shalt  }
0x3f: {  	_ =	shalt  }
0x40: {  	_ =	shalt  }
0x41: {  	_ =	shalt  }
0x42: {  	_ =	shalt  }
0x43: {  	_ =	shalt  }
0x44: {  	_ =	shalt  }
0x45: {  	_ =	shalt  }
0x46: {  	_ =	shalt  }
0x47: {  	_ =	shalt  }
0x48: {  	_ =	shalt  }
0x49: {  	_ =	shalt  }
0x4a: {  	_ =	shalt  }
0x4b: {  	_ =	shalt  }
0x4c: {  	_ =	shalt  }
0x4d: {  	_ =	shalt  }
0x4e: {  	_ =	shalt  }
0x4f: {  	_ =	shalt  }
0x50: {  	_ =	shalt  }
0x51: {  	_ =	shalt  }
0x52: {  	_ =	shalt  }
0x53: {  	_ =	shalt  }
0x54: {  	_ =	shalt  }
0x55: {  	_ =	shalt  }
0x56: {  	_ =	shalt  }
0x57: {  	_ =	shalt  }
0x58: {  	_ =	shalt  }
0x59: {  	_ =	shalt  }
0x5a: {  	_ =	shalt  }
0x5b: {  	_ =	shalt  }
0x5c: {  	_ =	shalt  }
0x5d: {  	_ =	shalt  }
0x5e: {  	_ =	shalt  }
0x5f: {  	_ =	shalt  }
0x60: {  	_ =	shalt  }
0x61: {  	_ =	shalt  }
0x62: {  	_ =	shalt  }
0x63: {  	_ =	shalt  }
0x64: {  	_ =	shalt  }
0x65: {  	_ =	shalt  }
0x66: {  	_ =	shalt  }
0x67: {  	_ =	shalt  }
0x68: {  	_ =	shalt  }
0x69: {  	_ =	shalt  }
0x6a: {  	_ =	shalt  }
0x6b: {  	_ =	shalt  }
0x6c: {  	_ =	shalt  }
0x6d: {  	_ =	shalt  }
0x6e: {  	_ =	shalt  }
0x6f: {  	_ =	shalt  }
0x70: {  	_ =	shalt  }
0x71: {  	_ =	shalt  }
0x72: {  	_ =	shalt  }
0x73: {  	_ =	shalt  }
0x74: {  	_ =	shalt  }
0x75: {  	_ =	shalt  }
0x76: {  	_ =	shalt  }
0x77: {  	_ =	shalt  }
0x78: {  	_ =	shalt  }
0x79: {  	_ =	shalt  }
0x7a: {  	_ =	shalt  }
0x7b: {  	_ =	shalt  }
0x7c: {  	_ =	shalt  }
0x7d: {  	_ =	shalt  }
0x7e: {  	_ =	shalt  }
0x7f: {  	_ =	shalt  }
0x80: {  	_ =	shalt  }
0x81: {  	_ =	shalt  }
0x82: {  	_ =	shalt  }
0x83: {  	_ =	shalt  }
0x84: {  	_ =	shalt  }
0x85: {  	_ =	shalt  }
0x86: {  	_ =	shalt  }
0x87: {  	_ =	shalt  }
.Lfunc_end0:
.L_simem_size_0:
called_computation_lowered:
.L_overlay_start_0:
0x88: {  	s2 =	sld [smem:$0x3FD9]  }
0x89: {  	s3 =	sld [smem:$0x3FFE];
	_ =	sdelay $0x1  }
0x8a: {  	s1 =	srdreg.scid  }
0x8b: {  	s0 =	sand.u32 $0x1, s1  }
0x8c: {  	s17 =	sshll.u32 s0, $0xA;
	s2 =	sadd.s32 s3, s2  }
0x8d: {  	s2 =	sadd.s32 s2, s17  }
0x8e: {  	[smem:$0x3FC2] =	sst s2  }
0x8f: {  	_ = 	snop  }
0x90: {  	s2 =	sld [smem:$0x3FC9]  }
0x91: {  	s18 =	sld [smem:$0x3FD0];
	(tm) =	ssettm $0x1  }
0x92: {  	s4 =	sld [smem:$0x3FFB];
	_ =	sdelay $0x3  }
0x93: {  	_ =	strace s4  }
0x94: {  	s4 =	sld [smem:$0x3FFC];
	_ =	sdelay $0x3  }
0x95: {  	_ =	strace s4  }
0x96: {  	s4 =	sld [smem:$0x3FFD];
	_ =	sdelay $0x3  }
0x97: {  	_ =	strace s4  }
0x98: {  	_ =	strace $0x8FFFFFFF  }
0x99: {  	s19 =	sld [smem:$0x3FDB];
	_ =	sdelay $0x1  }
0x9a: {  	s5 =	simm.s32 $_scs_section_size  }
0x9b: {  	s6 =	simm.s32 $_size__tile_overlayer_lowered;
	s7 =	simm.s32 $_tile_overlayer_lowered  }
0x9c: {  	s22 =	simm.s32 $0x1BFF;
	s21 =	sshll.u32 s7, $0x1;
	s4 =	sadd.s32 s5, s19  }
0x9d: {  	s8 =	simm.s32 $0x0;
	s20 =	sshll.u32 s6, $0x1;
	s6 =	sadd.s32 s21, s4  }
0x9e: {  	[timem:s8], [sflag:s22] =	dma.local [hbm:s6], s20  }
0x9f: {  	_ =	swait.ge [sflag:s22], s20  }
0xa0: {  	s5 =	ssub.s32 $0x0, s20;
	[sflag:s22] =	ssyncset.done $0x0  }
0xa1: {  	[sflag:s22] =	ssyncadd.s32 s5;
	_ =	sdelay $0x1  }
0xa2: {  	s23 =	simm.s32 $0x1B8B  }
0xa3: {  	_ =	swait.ge [sflag:s23], $0x1  }
0xa4: {  	[sflag:s23] =	ssyncset.done $0x0  }
0xa5: {  	s25 =	simm.s32 $0x1B8E;
	s24 =	sld [smem:$0x3FFE];
	[sflag:s23] =	ssyncadd.s32 $0xFFFFFFFF  }
0xa6: {  	s26 =	simm.s32 $execute0_lowered;
	[smem:$0x3FD2] =	sst s25  }
0xa7: {  	s6 =	sshll.u32 s26, $0x1;
	_ =	strace $0x80000046;
	[dreg:$0x1] =	wrdreg $0xFFFFFFFF  }
0xa8: {  	s28 =	simm.s32 $_size_execute0_lowered;
	s4 =	sadd.s32 s4, s6;
	[dreg:$0x0] =	wrdreg $0x0  }
0xa9: {  	s6 =	sshll.u32 s28, $0x1;
	[dreg:$0x2] =	wrdreg s4  }
0xaa: {  	[dreg:$0x3] =	wrdreg s6  }
0xab: {  	[dreg:$0x4] =	wrdreg $0xC0  }
0xac: {  	_ =	task [dreg:s8], $0x5FFFF  }
0xad: {  	[dreg:$0x1] =	wrdreg $0xFFFFFFFF  }
0xae: {  	[dreg:$0x0] =	wrdreg $0x60  }
0xaf: {  	[dreg:$0x2] =	wrdreg s24  }
0xb0: {  	[dreg:$0x3] =	wrdreg s2  }
0xb1: {  	[dreg:$0x4] =	wrdreg s18  }
0xb2: {  	[dreg:$0x5] =	wrdreg $0x9  }
0xb3: {  	_ =	task.clear_ibuf [dreg:s8], $0x6FFFF;
	_ =	strace $0x90000046  }
0xb4: {  	s29 =	simm.s32 $0x9;
	_ =	strace $0x80000048  }
0xb5: {  	_ =	swait.ge [sflag:s29], $0x1  }
0xb6: {  	[sflag:s29] =	ssyncadd.s32 $0xFFFFFFFF  }
0xb7: {  	_ =	strace $0x90000048  }
0xb8: {  	_ =	sfence  }
0xb9: {  	s30 =	sld [smem:$0x0];
	_ =	sdelay $0x2  }
0xba: {  	s31 =	sshll.u32 s1, $0xD;
	s1 =	sshrl.u32 s1, $0x2  }
0xbb: {  	s3 =	sand.u32 $0x4000, s31;
	s1 =	sadd.s32 s1, s30  }
0xbc: {  	s0 =	sor.u32 s3, s0;
	s1 =	sshll.u32 s1, $0x11  }
0xbd: {  	s0 =	sor.u32 s1, s0  }
0xbe: {  	s0 =	sadd.s32 $0x8F2B, s0  }
0xbf: {  	[sflag:s0] =	ssyncadd.remote.s32 $0x1  }
0xc0: {  	_ =	sfence.sel $0xFFFF  }
0xc1: {  	[dreg:$0x0] =	wrdreg $0xFFFFFFFF;
	(pc) =	sbr.abs _section_cstart, $3  }
0xc2: {  	[dreg:$0x1] =	wrdreg $0xFFFFFFFF  }
0xc3: {  	_ =	task.clear_ibuf [dreg:s8], $0x2FFFF;
	_ =	strace $0x9FFFFFFF  }
0xc4: {  	(tm) =	ssettm $0x7FFFFFFF  }
0xc5: {  	_ =	shalt  }
tec
execute0_lowered:
.L_overlay_start_1:
0x0: {  	(tag) =	ssettag $0x1  }
0x1: {  	s3 =	rddreg [dreg:$0x0]  }
0x2: {  	s4 =	rddreg [dreg:$0x1]  }
0x3: {  	s9 =	rddreg [dreg:$0x2]  }
0x4: {  	s0 =	rddreg [dreg:$0x3];
	s2 =	simm.s32 $0x0;
	s5 =	srdreg.scid  }
0x5: {  	s1 =	stileid.u32;
	s12 =	simm.s32 $0x1800;
	s13 =	simm.s32 $0x3  }
0x6: {  	s14 =	simm.s32 $0x80;
	s15 =	simm.s32 $0x1C00;
	s16 =	simm.s32 $0x5C00  }
0x7: {  	s17 =	simm.s32 $0x9C00;
	s18 =	simm.s32 $0xDC00;
	s19 =	simm.s32 $0x1  }
0x8: {  	s20 =	simm.s32 $0x4000;
	s21 =	simm.s32 $0x80000;
	s22 =	simm.s32 $0x2  }
0x9: {  	s23 =	simm.s32 $0x0;
	[smem:$0x7FF] =	sst s2;
	s5 =	sand.u32 $0x1, s5  }
0xa: {  	s7 =	sshll.u32 s1, $0x8;
	s3 =	sadd.s32 $0xC00, s3;
	s29 =	sshll.u32 s1, $0xF  }
0xb: {  	s6 =	ssub.s32 $0x2, s5;
	s8 =	sshll.u32 s5, $0x7;
	_ =	strace $0x80000047  }
0xc: {  	s30 =	sshll.u32 s5, $0xE;
	s10 =	sshrl.u32 s6, $0x1;
	s7 =	sor.u32 s8, s7  }
0xd: {  	s26 =	ssub.s32 s6, s10;
	s4 =	sadd.s32 s4, s7;
	s28 =	sshll.u32 s7, $0x4  }
0xe: {  	s7 =	sor.u32 s30, s29;
	s5 =	sadd.s32 $0x6000, s4;
	s6 =	sadd.s32 s28, s9  }
0xf: {  	s10 =	sshrl.u32 s7, $0x3;
	s11 =	sor.u32 $0x100000, s7;
	s7 =	smax.u32 s26, $0x1  }
0x10: {  	s6 =	sadd.s32 $0x300000, s6;
	s8 =	sadd.s32 s10, s9;
	s31 =	sshrl.u32 s11, $0x3  }
0x11: {  	s10 =	simm.s32 $0x400;
	s11 =	simm.s32 $0x8000;
	s9 =	sadd.s32 s31, s9  }
.LBB2_1:
0x12: {  	[tilespmem:s2], [sflag:$0x3] =	stream.strided.gather [hbm4b:s4+s10], $0x1800, s11, s10, $0x38;
	[tilespmem:$0x11C00] =	vst v63  }
0x13: {  	_ = 	snop  }
0x14: {  	[tilespmem:s12], [sflag:$0x3] =	stream.linear.gather [hbm4b:s5+s2], $0x100, $0x38;
	[tilespmem:$0x11C00] =	vst v63  }
0x15: {  	_ =	swait.ge [sflag:s13], $0x1900  }
0x16: {  	[sflag:s13] =	ssyncset.done $0x0  }
0x17: {  	[sflag:s13] =	ssyncadd.s32 $0xFFFFE700  }
0x18: {  	[tilespmem:s15], [sflag:$0x1] =	stream.indirect.gather [hbm4b:s3+s14], $0x80, s2, s14, $0xb8;
	[tilespmem:$0x11C00] =	vst v63  }
0x19: {  	_ = 	snop  }
0x1a: {  	[tilespmem:s16], [sflag:$0x1] =	stream.indirect.gather [hbm4b:s3+s14], $0x80, s14, s14, $0xb8;
	[tilespmem:$0x11C00] =	vst v63  }
0x1b: {  	s24 =	simm.s32 $0x100  }
0x1c: {  	[tilespmem:s17], [sflag:$0x2] =	stream.indirect.gather [hbm4b:s3+s14], $0x80, s24, s14, $0xb8;
	[tilespmem:$0x11C00] =	vst v63  }
0x1d: {  	s29 =	simm.s32 $0x180  }
0x1e: {  	[tilespmem:s18], [sflag:$0x2] =	stream.indirect.gather [hbm4b:s3+s14], $0x80, s29, s14, $0xb8;
	[tilespmem:$0x11C00] =	vst v63  }
0x1f: {  	_ =	swait.ge [sflag:s19], $0x4000  }
0x20: {  	[sflag:s19] =	ssyncset.done $0x0  }
0x21: {  	[sflag:s19] =	ssyncadd.s32 $0xFFFFC000  }
0x22: {  	_ =	swait.ge [sflag:s19], $0x4000  }
0x23: {  	[sflag:s19] =	ssyncset.done $0x0  }
0x24: {  	[sflag:s19] =	ssyncadd.s32 $0xFFFFC000  }
0x25: {  	[hbm4b:s8+s20] =	stream.strided.scatter [tilespmem:s15], [sflag:$0x3], $0x8000, s21, s20, $0x38;
	[tilespmem:$0x11C00] =	vst v63  }
0x26: {  	_ =	swait.ge [sflag:s13], $0x8000  }
0x27: {  	[sflag:s13] =	ssyncset.done $0x0  }
0x28: {  	s30 =	simm.s32 $0x200;
	[sflag:s13] =	ssyncadd.s32 $0xFFFF8000  }
0x29: {  	[tilespmem:s15], [sflag:$0x1] =	stream.indirect.gather [hbm4b:s3+s14], $0x80, s30, s14, $0xb8;
	[tilespmem:$0x11C00] =	vst v63  }
0x2a: {  	s31 =	simm.s32 $0x280  }
0x2b: {  	[tilespmem:s16], [sflag:$0x1] =	stream.indirect.gather [hbm4b:s3+s14], $0x80, s31, s14, $0xb8;
	[tilespmem:$0x11C00] =	vst v63  }
0x2c: {  	_ =	swait.ge [sflag:s22], $0x4000  }
0x2d: {  	[sflag:s22] =	ssyncset.done $0x0  }
0x2e: {  	[sflag:s22] =	ssyncadd.s32 $0xFFFFC000  }
0x2f: {  	_ =	swait.ge [sflag:s22], $0x4000  }
0x30: {  	[sflag:s22] =	ssyncset.done $0x0  }
0x31: {  	[sflag:s22] =	ssyncadd.s32 $0xFFFFC000  }
0x32: {  	[hbm4b:s9+s20] =	stream.strided.scatter [tilespmem:s17], [sflag:$0x3], $0x8000, s21, s20, $0x38;
	[tilespmem:$0x11C00] =	vst v63  }
0x33: {  	s28 =	simm.s32 $0x1000;
	s26 =	simm.s32 $0x200;
	_ =	swait.ge [sflag:s13], $0x8000  }
0x34: {  	s25 =	sadd.s32 $0x40000, s8;
	s24 =	sadd.s32 $0x40000, s9;
	[sflag:s13] =	ssyncset.done $0x0  }
.LBB2_2:
0x35: {  	s29 =	sadd.s32 $0x100, s26  }
0x36: {  	[sflag:s13] =	ssyncadd.s32 $0xFFFF8000;
	s30 =	smov.u32 s28;
	s31 =	sadd.s32 $0x800, s28  }
0x37: {  	[tilespmem:s17], [sflag:$0x2] =	stream.indirect.gather [hbm4b:s3+s14], $0x80, s29, s14, $0xb8;
	[tilespmem:$0x11C00] =	vst v63  }
0x38: {  	p0 =	sne.s32 s28, $0x5800;
	s28 =	sadd.s32 $0x180, s26  }
0x39: {  	[tilespmem:s18], [sflag:$0x2] =	stream.indirect.gather [hbm4b:s3+s14], $0x80, s28, s14, $0xb8;
	[tilespmem:$0x11C00] =	vst v63  }
0x3a: {  	_ =	swait.ge [sflag:s19], $0x4000  }
0x3b: {  	[sflag:s19] =	ssyncset.done $0x0  }
0x3c: {  	[sflag:s19] =	ssyncadd.s32 $0xFFFFC000  }
0x3d: {  	_ =	swait.ge [sflag:s19], $0x4000  }
0x3e: {  	[sflag:s19] =	ssyncset.done $0x0  }
0x3f: {  	[sflag:s19] =	ssyncadd.s32 $0xFFFFC000  }
0x40: {  	[hbm4b:s25+s20] =	stream.strided.scatter [tilespmem:s15], [sflag:$0x3], $0x8000, s21, s20, $0x38;
	[tilespmem:$0x11C00] =	vst v63  }
0x41: {  	_ =	swait.ge [sflag:s13], $0x8000  }
0x42: {  	[sflag:s13] =	ssyncset.done $0x0  }
0x43: {  	s28 =	sadd.s32 $0x200, s26;
	[sflag:s13] =	ssyncadd.s32 $0xFFFF8000  }
0x44: {  	[tilespmem:s15], [sflag:$0x1] =	stream.indirect.gather [hbm4b:s3+s14], $0x80, s28, s14, $0xb8;
	[tilespmem:$0x11C00] =	vst v63  }
0x45: {  	s26 =	sadd.s32 $0x280, s26  }
0x46: {  	[tilespmem:s16], [sflag:$0x1] =	stream.indirect.gather [hbm4b:s3+s14], $0x80, s26, s14, $0xb8;
	[tilespmem:$0x11C00] =	vst v63  }
0x47: {  	_ =	swait.ge [sflag:s22], $0x4000  }
0x48: {  	[sflag:s22] =	ssyncset.done $0x0  }
0x49: {  	[sflag:s22] =	ssyncadd.s32 $0xFFFFC000  }
0x4a: {  	_ =	swait.ge [sflag:s22], $0x4000  }
.Ltmp0:
0x4b: {  	[sflag:s22] =	ssyncset.done $0x0;
	(pc) =	sbr.rel @p0 .LBB2_2-.Ltmp0, $4  }
0x4c: {  	[sflag:s22] =	ssyncadd.s32 $0xFFFFC000  }
0x4d: {  	[hbm4b:s24+s20] =	stream.strided.scatter [tilespmem:s17], [sflag:$0x3], $0x8000, s21, s20, $0x38;
	[tilespmem:$0x11C00] =	vst v63  }
0x4e: {  	s25 =	sadd.s32 $0x40000, s25;
	s24 =	sadd.s32 $0x40000, s24;
	_ =	swait.ge [sflag:s13], $0x8000  }
0x4f: {  	s28 =	smov.u32 s31;
	s26 =	sshra.s32 s30, $0x2;
	[sflag:s13] =	ssyncset.done $0x0  }
0x50: {  	s28 =	sadd.s32 $0x100, s26;
	[sflag:s13] =	ssyncadd.s32 $0xFFFF8000  }
0x51: {  	[tilespmem:s17], [sflag:$0x2] =	stream.indirect.gather [hbm4b:s3+s14], $0x80, s28, s14, $0xb8;
	[tilespmem:$0x11C00] =	vst v63  }
0x52: {  	s29 =	sadd.s32 $0x180, s26  }
0x53: {  	[tilespmem:s18], [sflag:$0x2] =	stream.indirect.gather [hbm4b:s3+s14], $0x80, s29, s14, $0xb8;
	[tilespmem:$0x11C00] =	vst v63  }
0x54: {  	_ =	swait.ge [sflag:s19], $0x4000  }
0x55: {  	[sflag:s19] =	ssyncset.done $0x0  }
0x56: {  	[sflag:s19] =	ssyncadd.s32 $0xFFFFC000  }
0x57: {  	_ =	swait.ge [sflag:s19], $0x4000  }
0x58: {  	[sflag:s19] =	ssyncset.done $0x0  }
0x59: {  	[sflag:s19] =	ssyncadd.s32 $0xFFFFC000  }
0x5a: {  	[hbm4b:s25+s20] =	stream.strided.scatter [tilespmem:s15], [sflag:$0x3], $0x8000, s21, s20, $0x38;
	[tilespmem:$0x11C00] =	vst v63  }
0x5b: {  	_ =	swait.ge [sflag:s13], $0x8000  }
0x5c: {  	[sflag:s13] =	ssyncset.done $0x0  }
0x5d: {  	s30 =	sadd.s32 $0x200, s26;
	[sflag:s13] =	ssyncadd.s32 $0xFFFF8000  }
0x5e: {  	[tilespmem:s15], [sflag:$0x1] =	stream.indirect.gather [hbm4b:s3+s14], $0x80, s30, s14, $0xb8;
	[tilespmem:$0x11C00] =	vst v63  }
0x5f: {  	s31 =	sadd.s32 $0x280, s26  }
0x60: {  	[tilespmem:s16], [sflag:$0x1] =	stream.indirect.gather [hbm4b:s3+s14], $0x80, s31, s14, $0xb8;
	[tilespmem:$0x11C00] =	vst v63  }
0x61: {  	_ =	swait.ge [sflag:s22], $0x4000  }
0x62: {  	[sflag:s22] =	ssyncset.done $0x0  }
0x63: {  	[sflag:s22] =	ssyncadd.s32 $0xFFFFC000  }
0x64: {  	_ =	swait.ge [sflag:s22], $0x4000  }
0x65: {  	[sflag:s22] =	ssyncset.done $0x0  }
0x66: {  	[sflag:s22] =	ssyncadd.s32 $0xFFFFC000  }
0x67: {  	[hbm4b:s24+s20] =	stream.strided.scatter [tilespmem:s17], [sflag:$0x3], $0x8000, s21, s20, $0x38;
	[tilespmem:$0x11C00] =	vst v63  }
0x68: {  	_ =	swait.ge [sflag:s13], $0x8000  }
0x69: {  	[sflag:s13] =	ssyncset.done $0x0  }
0x6a: {  	[sflag:s13] =	ssyncadd.s32 $0xFFFF8000  }
0x6b: {  	_ =	swait.ge [sflag:s19], $0x4000  }
0x6c: {  	[sflag:s19] =	ssyncset.done $0x0  }
0x6d: {  	[sflag:s19] =	ssyncadd.s32 $0xFFFFC000  }
0x6e: {  	s23 =	sadd.s32 $0x1, s23;
	_ =	swait.ge [sflag:s19], $0x4000  }
0x6f: {  	p0 =	sne.s32 s23, s7;
	[sflag:s19] =	ssyncset.done $0x0  }
.Ltmp1:
0x70: {  	[sflag:s19] =	ssyncadd.s32 $0xFFFFC000;
	(pc) =	sbr.rel @p0 .LBB2_1-.Ltmp1, $4  }
0x71: {  	[hbm4b:s6+s20] =	stream.strided.scatter [tilespmem:s15], [sflag:$0x3], $0x8000, s21, s20, $0x38;
	[tilespmem:$0x11C00] =	vst v63  }
0x72: {  	_ =	swait.ge [sflag:s13], $0x8000  }
0x73: {  	[sflag:s13] =	ssyncset.done $0x0  }
0x74: {  	[sflag:s13] =	ssyncadd.s32 $0xFFFF8000  }
0x75: {  	_ =	sfence.sel $0x180000  }
0x76: {  	[bflag:$0x0] =	sbarrier.arrive $0xFFFF  }
0x77: {  	p0 =	sne.s32 s1, $0x0;
	_ =	strace $0x90000047  }
0x78: {  	s0 =	sadd.s32 @!p0 $0x100000, s0;
	[bflag:$0x2] =	sbarrier.arrive $0xFFFF  }
0x79: {  	[sflag:s0] =	ssyncadd.tile.s32 @!p0 $0x1;
	_ =	shalt  }
.Lfunc_end2:
_tile_overlayer_lowered:
.L_overlay_start_2:
0x7a: {  	(tag) =	ssettag $0x2  }
0x7b: {  	s0 =	rddreg [dreg:$0x0];
	s2 =	stileid.u32  }
0x7c: {  	s1 =	rddreg [dreg:$0x1];
	p0 =	sne.s32 s2, $0x0  }
0x7d: {  	s3 =	rddreg [dreg:$0x2];
	[bflag:$0x3] =	sbarrier.arrive $0xFFFF;
	s2 =	simm.s32 @!p0 $0x1C03  }
0x7e: {  	[timem:s3], [sflag:s2] =	dma.local @!p0 [hbm:s0], s1  }
0x7f: {  	s0 =	simm.s32 @!p0 $0x3  }
0x80: {  	_ =	swait.ge @!p0 [sflag:s0], s1  }
0x81: {  	s1 =	ssub.s32 @!p0 $0x0, s1;
	[sflag:s0] =	ssyncset.done @!p0 $0x0  }
0x82: {  	[sflag:s0] =	ssyncadd.s32 @!p0 s1  }
0x83: {  	[bflag:$0x3] =	sbarrier.arrive $0xFFFF  }
0x84: {  	_ =	shalt  }

</sc_bundles>
